<compile_context>
chip_gen: v7x
topology: tpu7x:2x2x1
jax: 0.10.2.dev20260603
libtpu: 0.0.44.dev20260713+nightly
codegen_flags: <defaults>
</compile_context>

<pallas_src>
import jax
import jax.numpy as jnp
from jax import lax
from jax.experimental import pallas as pl
from jax.experimental.pallas import tpu as pltpu
from jax.experimental.pallas import tpu_sc as plsc

_K = 32
_L = 16
_B = 128


def _dot_body(iu_hbm, ip_hbm, u_hbm, p_hbm, out_hbm,
              idx_v, u_blk, p_blk, out_v, sem):
    is_lead = lax.axis_index("s") == 0

    @pl.when(is_lead)
    def _():
        out_v[...] = jnp.zeros((_L,), jnp.float32)
        ci = pltpu.async_copy(iu_hbm, idx_v.at[pl.ds(0, 1)], sem)
        cj = pltpu.async_copy(ip_hbm, idx_v.at[pl.ds(8, 1)], sem)
        ci.wait()
        cj.wait()
        iv = idx_v[...]
        iu = iv[0]
        ip = iv[8]
        bu = pl.multiple_of((iu // _B) * _B, _B)
        bp = pl.multiple_of((ip // _B) * _B, _B)
        cu = pltpu.async_copy(u_hbm.at[:, pl.ds(bu, _B)], u_blk, sem)
        cp = pltpu.async_copy(p_hbm.at[:, pl.ds(bp, _B)], p_blk, sem)
        cu.wait()
        cp.wait()
        lanes = lax.iota(jnp.int32, _L)
        cu_idx = jnp.broadcast_to(iu % _B, (_L,))
        cp_idx = jnp.broadcast_to(ip % _B, (_L,))
        u0 = plsc.load_gather(u_blk, [lanes, cu_idx])
        u1 = plsc.load_gather(u_blk, [lanes + _L, cu_idx])
        p0 = plsc.load_gather(p_blk, [lanes, cp_idx])
        p1 = plsc.load_gather(p_blk, [lanes + _L, cp_idx])
        prod = u0 * p0 + u1 * p1
        plsc.addupdate_scatter(out_v, [jnp.zeros((_L,), jnp.int32)], prod)
        pltpu.sync_copy(out_v, out_hbm)


_sc_dot = pl.kernel(
    _dot_body,
    out_type=jax.ShapeDtypeStruct((_L,), jnp.float32),
    mesh=plsc.VectorSubcoreMesh(
        core_axis_name="c", subcore_axis_name="s", num_cores=1,
        num_subcores=1),
    compiler_params=pltpu.CompilerParams(
        needs_layout_passes=False, use_tc_tiling_on_sc=True,
        skip_device_barrier=True, disable_bounds_checks=True,
        disable_semaphore_checks=True),
    scratch_types=[
        pltpu.VMEM((_L,), jnp.int32),
        pltpu.VMEM((_K, _B), jnp.float32),
        pltpu.VMEM((_K, _B), jnp.float32),
        pltpu.VMEM((_L,), jnp.float32),
        pltpu.SemaphoreType.DMA,
    ],
)


def kernel(i_user, i_product, U, P):
    iu = jnp.reshape(jnp.asarray(i_user, jnp.int32), (1,))
    ip = jnp.reshape(jnp.asarray(i_product, jnp.int32), (1,))
    out = _sc_dot(iu, ip, U.T, P.T)
    return out[0]

# --- scband reference (transcript-rebuilt; emitter-appended) ---
"""Pipeline reference for scband-recommender-42253888258310 (READ-ONLY COPY).

The authoritative reference and input builder live on the scoring server;
editing this copy changes nothing except your own understanding.
"""

import jax, jax.numpy as jnp
import numpy as np

N_U = 1000000
N_P = 1000000
K = 32

def setup_inputs(seed: int = 0) -> dict:
    key = jax.random.key(seed)
    kU, kP = jax.random.split(key, 2)
    U = jax.random.uniform(kU, (N_U, K), dtype=jnp.float32)
    P = jax.random.uniform(kP, (N_P, K), dtype=jnp.float32)
    i_user = 123456
    i_product = 654321
    return {"i_user": i_user, "i_product": i_product, "U": U, "P": P}

def reference(i_user, i_product, U, P):
    user_vector = U[i_user]
    product_vector = P[i_product]
    return user_vector @ product_vector

if __name__ == "__main__":
    import jax
    _d = setup_inputs()
    print(jax.jit(kernel)(*tuple(_d.values())))

</pallas_src>

<mosaic_0001>
#map = affine_map<(d0, d1) -> (0)>
#map1 = affine_map<(d0, d1) -> (0, 0)>
module attributes {stable_mosaic.version = 14 : i64} {
  func.func @_dot_body(%arg0: i32, %arg1: i32, %arg2: memref<1xi32, #tpu.memory_space<hbm>>, %arg3: memref<1xi32, #tpu.memory_space<hbm>>, %arg4: memref<32x1000000xf32, #tpu.memory_space<hbm>>, %arg5: memref<32x1000000xf32, #tpu.memory_space<hbm>>, %arg6: memref<16xf32, #tpu.memory_space<hbm>>, %arg7: memref<16xi32, #tpu.memory_space<vmem>>, %arg8: memref<32x128xf32, #tpu.memory_space<vmem>>, %arg9: memref<32x128xf32, #tpu.memory_space<vmem>>, %arg10: memref<16xf32, #tpu.memory_space<vmem>>, %arg11: memref<!tpu.dma_semaphore, #tpu.memory_space<semaphore_mem>>) attributes {dimension_semantics = [#tpu.dimension_semantics<core_parallel>, #tpu.dimension_semantics<subcore_parallel>], iteration_bounds = array<i64: 1, 1>, scalar_prefetch = 0 : i64, scratch_operands = 5 : i64, tpu.core_type = #tpu.core_type<sc_vector_subcore>, window_params = [{transform_indices = #map}, {transform_indices = #map}, {transform_indices = #map1}, {transform_indices = #map1}, {transform_indices = #map}]} {
    %eq3A = arith.constant 0 : i32
    %eq3A_0 = arith.cmpi eq, %arg1, %eq3A : i32
    %convert_element_type3A = arith.extui %eq3A_0 : i1 to i32
    %cond3A = arith.constant 0 : i32
    %cond3A_1 = arith.cmpi ne, %convert_element_type3A, %cond3A : i32
    scf.if %cond3A_1 {
      %broadcast_in_dim3A = arith.constant 0.000000e+00 : f32
      %broadcast_in_dim3A_2 = vector.broadcast %broadcast_in_dim3A : f32 to vector<16xf32>
      %swap3A = arith.constant 0 : index
      %swap3A_3 = tpu.vector_load %arg10[%swap3A] {strides = array<i32>} : memref<16xf32, #tpu.memory_space<vmem>>, vector<16xf32>,
      tpu.vector_store %arg10[%swap3A], %broadcast_in_dim3A_2 {strides = array<i32>} : memref<16xf32, #tpu.memory_space<vmem>>, vector<16xf32>,
      %dma_start3A = arith.constant 0 : i32
      %dma_start3A_4 = tpu.memref_slice %arg7[%dma_start3A] : memref<16xi32, #tpu.memory_space<vmem>> -> memref<1xi32, #tpu.memory_space<vmem>>
      %dma_start3A_5 = arith.constant 0 : i32
      %dma_start3A_6 = tpu.memref_slice %arg7[%dma_start3A_5] : memref<16xi32, #tpu.memory_space<vmem>> -> memref<1xi32, #tpu.memory_space<vmem>>
      tpu.enqueue_dma source(%arg2 : memref<1xi32, #tpu.memory_space<hbm>>) target(%dma_start3A_6 : memref<1xi32, #tpu.memory_space<vmem>>) target_semaphore(%arg11 : memref<!tpu.dma_semaphore, #tpu.memory_space<semaphore_mem>>)
      %dma_start3A_7 = arith.constant 8 : i32
      %dma_start3A_8 = tpu.memref_slice %arg7[%dma_start3A_7] : memref<16xi32, #tpu.memory_space<vmem>> -> memref<1xi32, #tpu.memory_space<vmem>>
      %dma_start3A_9 = arith.constant 8 : i32
      %dma_start3A_10 = tpu.memref_slice %arg7[%dma_start3A_9] : memref<16xi32, #tpu.memory_space<vmem>> -> memref<1xi32, #tpu.memory_space<vmem>>
      tpu.enqueue_dma source(%arg3 : memref<1xi32, #tpu.memory_space<hbm>>) target(%dma_start3A_10 : memref<1xi32, #tpu.memory_space<vmem>>) target_semaphore(%arg11 : memref<!tpu.dma_semaphore, #tpu.memory_space<semaphore_mem>>)
      %dma_wait3A = arith.constant 0 : i32
      %dma_wait3A_11 = tpu.memref_slice %arg7[%dma_wait3A] : memref<16xi32, #tpu.memory_space<vmem>> -> memref<1xi32, #tpu.memory_space<vmem>>
      %dma_wait3A_12 = arith.constant 0 : i32
      %dma_wait3A_13 = tpu.memref_slice %arg7[%dma_wait3A_12] : memref<16xi32, #tpu.memory_space<vmem>> -> memref<1xi32, #tpu.memory_space<vmem>>
      tpu.wait_dma2 semaphore(%arg11 : memref<!tpu.dma_semaphore, #tpu.memory_space<semaphore_mem>>) src(%arg2 : memref<1xi32, #tpu.memory_space<hbm>>) dst(%dma_wait3A_13 : memref<1xi32, #tpu.memory_space<vmem>>)
      %dma_wait3A_14 = arith.constant 8 : i32
      %dma_wait3A_15 = tpu.memref_slice %arg7[%dma_wait3A_14] : memref<16xi32, #tpu.memory_space<vmem>> -> memref<1xi32, #tpu.memory_space<vmem>>
      %dma_wait3A_16 = arith.constant 8 : i32
      %dma_wait3A_17 = tpu.memref_slice %arg7[%dma_wait3A_16] : memref<16xi32, #tpu.memory_space<vmem>> -> memref<1xi32, #tpu.memory_space<vmem>>
      tpu.wait_dma2 semaphore(%arg11 : memref<!tpu.dma_semaphore, #tpu.memory_space<semaphore_mem>>) src(%arg3 : memref<1xi32, #tpu.memory_space<hbm>>) dst(%dma_wait3A_17 : memref<1xi32, #tpu.memory_space<vmem>>)
      %get3A = arith.constant 0 : index
      %get3A_18 = tpu.vector_load %arg7[%get3A] {strides = array<i32>} : memref<16xi32, #tpu.memory_space<vmem>>, vector<16xi32>,
      %slice3A = vector.extract_strided_slice %get3A_18 {offsets = [0], sizes = [1], strides = [1]} : vector<16xi32> to vector<1xi32>
      %squeeze3A = vector.extract %slice3A[0] : i32 from vector<1xi32>
      %slice3A_19 = vector.extract_strided_slice %get3A_18 {offsets = [8], sizes = [1], strides = [1]} : vector<16xi32> to vector<1xi32>
      %squeeze3A_20 = vector.extract %slice3A_19[0] : i32 from vector<1xi32>
      %jit3A = arith.constant 128 : i32
      %div3A = arith.divsi %squeeze3A, %jit3A : i32
      %sign3A = arith.constant 0 : i32
      %sign3A_21 = arith.cmpi sgt, %squeeze3A, %sign3A : i32
      %sign3A_22 = arith.extui %sign3A_21 : i1 to i32
      %sign3A_23 = arith.constant 0 : i32
      %sign3A_24 = arith.cmpi slt, %squeeze3A, %sign3A_23 : i32
      %sign3A_25 = arith.extui %sign3A_24 : i1 to i32
      %sign3A_26 = arith.subi %sign3A_22, %sign3A_25 : i32
      %sign3A_27 = arith.constant 0 : i32
      %sign3A_28 = arith.cmpi sgt, %jit3A, %sign3A_27 : i32
      %sign3A_29 = arith.extui %sign3A_28 : i1 to i32
      %sign3A_30 = arith.constant 0 : i32
      %sign3A_31 = arith.cmpi slt, %jit3A, %sign3A_30 : i32
      %sign3A_32 = arith.extui %sign3A_31 : i1 to i32
      %sign3A_33 = arith.subi %sign3A_29, %sign3A_32 : i32
      %ne3A = arith.cmpi ne, %sign3A_26, %sign3A_33 : i32
      %rem3A = arith.remsi %squeeze3A, %jit3A : i32
      %ne3A_34 = arith.constant 0 : i32
      %ne3A_35 = arith.cmpi ne, %rem3A, %ne3A_34 : i32
      %and3A = arith.andi %ne3A, %ne3A_35 : i1
      %sub3A = arith.constant 1 : i32
      %sub3A_36 = arith.subi %div3A, %sub3A : i32
      %select_n3A = arith.select %and3A, %sub3A_36, %div3A : i32
      %mul3A = arith.constant 128 : i32
      %mul3A_37 = arith.muli %select_n3A, %mul3A : i32
      %multiple_of3A = tpu.assume_multiple %mul3A_37, 128 : i32
      %jit3A_38 = arith.constant 128 : i32
      %div3A_39 = arith.divsi %squeeze3A_20, %jit3A_38 : i32
      %sign3A_40 = arith.constant 0 : i32
      %sign3A_41 = arith.cmpi sgt, %squeeze3A_20, %sign3A_40 : i32
      %sign3A_42 = arith.extui %sign3A_41 : i1 to i32
      %sign3A_43 = arith.constant 0 : i32
      %sign3A_44 = arith.cmpi slt, %squeeze3A_20, %sign3A_43 : i32
      %sign3A_45 = arith.extui %sign3A_44 : i1 to i32
      %sign3A_46 = arith.subi %sign3A_42, %sign3A_45 : i32
      %sign3A_47 = arith.constant 0 : i32
      %sign3A_48 = arith.cmpi sgt, %jit3A_38, %sign3A_47 : i32
      %sign3A_49 = arith.extui %sign3A_48 : i1 to i32
      %sign3A_50 = arith.constant 0 : i32
      %sign3A_51 = arith.cmpi slt, %jit3A_38, %sign3A_50 : i32
      %sign3A_52 = arith.extui %sign3A_51 : i1 to i32
      %sign3A_53 = arith.subi %sign3A_49, %sign3A_52 : i32
      %ne3A_54 = arith.cmpi ne, %sign3A_46, %sign3A_53 : i32
      %rem3A_55 = arith.remsi %squeeze3A_20, %jit3A_38 : i32
      %ne3A_56 = arith.constant 0 : i32
      %ne3A_57 = arith.cmpi ne, %rem3A_55, %ne3A_56 : i32
      %and3A_58 = arith.andi %ne3A_54, %ne3A_57 : i1
      %sub3A_59 = arith.constant 1 : i32
      %sub3A_60 = arith.subi %div3A_39, %sub3A_59 : i32
      %select_n3A_61 = arith.select %and3A_58, %sub3A_60, %div3A_39 : i32
      %mul3A_62 = arith.constant 128 : i32
      %mul3A_63 = arith.muli %select_n3A_61, %mul3A_62 : i32
      %multiple_of3A_64 = tpu.assume_multiple %mul3A_63, 128 : i32
      %dma_start3A_65 = arith.constant 0 : i32
      %dma_start3A_66 = tpu.memref_slice %arg4[%dma_start3A_65, %multiple_of3A] : memref<32x1000000xf32, #tpu.memory_space<hbm>> -> memref<32x128xf32, #tpu.memory_space<hbm>>
      %dma_start3A_67 = arith.constant 0 : i32
      %dma_start3A_68 = tpu.memref_slice %arg4[%dma_start3A_67, %multiple_of3A] : memref<32x1000000xf32, #tpu.memory_space<hbm>> -> memref<32x128xf32, #tpu.memory_space<hbm>>
      tpu.enqueue_dma source(%dma_start3A_68 : memref<32x128xf32, #tpu.memory_space<hbm>>) target(%arg8 : memref<32x128xf32, #tpu.memory_space<vmem>>) target_semaphore(%arg11 : memref<!tpu.dma_semaphore, #tpu.memory_space<semaphore_mem>>)
      %dma_start3A_69 = arith.constant 0 : i32
      %dma_start3A_70 = tpu.memref_slice %arg5[%dma_start3A_69, %multiple_of3A_64] : memref<32x1000000xf32, #tpu.memory_space<hbm>> -> memref<32x128xf32, #tpu.memory_space<hbm>>
      %dma_start3A_71 = arith.constant 0 : i32
      %dma_start3A_72 = tpu.memref_slice %arg5[%dma_start3A_71, %multiple_of3A_64] : memref<32x1000000xf32, #tpu.memory_space<hbm>> -> memref<32x128xf32, #tpu.memory_space<hbm>>
      tpu.enqueue_dma source(%dma_start3A_72 : memref<32x128xf32, #tpu.memory_space<hbm>>) target(%arg9 : memref<32x128xf32, #tpu.memory_space<vmem>>) target_semaphore(%arg11 : memref<!tpu.dma_semaphore, #tpu.memory_space<semaphore_mem>>)
      %dma_wait3A_73 = arith.constant 0 : i32
      %dma_wait3A_74 = tpu.memref_slice %arg4[%dma_wait3A_73, %multiple_of3A] : memref<32x1000000xf32, #tpu.memory_space<hbm>> -> memref<32x128xf32, #tpu.memory_space<hbm>>
      %dma_wait3A_75 = arith.constant 0 : i32
      %dma_wait3A_76 = tpu.memref_slice %arg4[%dma_wait3A_75, %multiple_of3A] : memref<32x1000000xf32, #tpu.memory_space<hbm>> -> memref<32x128xf32, #tpu.memory_space<hbm>>
      tpu.wait_dma2 semaphore(%arg11 : memref<!tpu.dma_semaphore, #tpu.memory_space<semaphore_mem>>) src(%dma_wait3A_76 : memref<32x128xf32, #tpu.memory_space<hbm>>) dst(%arg8 : memref<32x128xf32, #tpu.memory_space<vmem>>)
      %dma_wait3A_77 = arith.constant 0 : i32
      %dma_wait3A_78 = tpu.memref_slice %arg5[%dma_wait3A_77, %multiple_of3A_64] : memref<32x1000000xf32, #tpu.memory_space<hbm>> -> memref<32x128xf32, #tpu.memory_space<hbm>>
      %dma_wait3A_79 = arith.constant 0 : i32
      %dma_wait3A_80 = tpu.memref_slice %arg5[%dma_wait3A_79, %multiple_of3A_64] : memref<32x1000000xf32, #tpu.memory_space<hbm>> -> memref<32x128xf32, #tpu.memory_space<hbm>>
      tpu.wait_dma2 semaphore(%arg11 : memref<!tpu.dma_semaphore, #tpu.memory_space<semaphore_mem>>) src(%dma_wait3A_80 : memref<32x128xf32, #tpu.memory_space<hbm>>) dst(%arg9 : memref<32x128xf32, #tpu.memory_space<vmem>>)
      %iota3A = tpu.iota {dimensions = array<i32: 0>} : vector<16xi32>
      %jit3A_81 = arith.constant 128 : i32
      %eq3A_82 = arith.constant 0 : i32
      %eq3A_83 = arith.cmpi eq, %jit3A_81, %eq3A_82 : i32
      %jit3A_84 = arith.constant 1 : i32
      %select_n3A_85 = arith.select %eq3A_83, %jit3A_84, %jit3A_81 : i32
      %rem3A_86 = arith.remsi %squeeze3A, %select_n3A_85 : i32
      %ne3A_87 = arith.constant 0 : i32
      %ne3A_88 = arith.cmpi ne, %rem3A_86, %ne3A_87 : i32
      %lt3A = arith.constant 0 : i32
      %lt3A_89 = arith.cmpi slt, %rem3A_86, %lt3A : i32
      %lt3A_90 = arith.constant 0 : i32
      %lt3A_91 = arith.cmpi slt, %select_n3A_85, %lt3A_90 : i32
      %ne3A_92 = arith.xori %lt3A_89, %lt3A_91 : i1
      %and3A_93 = arith.andi %ne3A_92, %ne3A_88 : i1
      %add3A = arith.addi %rem3A_86, %select_n3A_85 : i32
      %select_n3A_94 = arith.select %and3A_93, %add3A, %rem3A_86 : i32
      %broadcast_in_dim3A_95 = vector.broadcast %select_n3A_94 : i32 to vector<16xi32>
      %jit3A_96 = arith.constant 128 : i32
      %eq3A_97 = arith.constant 0 : i32
      %eq3A_98 = arith.cmpi eq, %jit3A_96, %eq3A_97 : i32
      %jit3A_99 = arith.constant 1 : i32
      %select_n3A_100 = arith.select %eq3A_98, %jit3A_99, %jit3A_96 : i32
      %rem3A_101 = arith.remsi %squeeze3A_20, %select_n3A_100 : i32
      %ne3A_102 = arith.constant 0 : i32
      %ne3A_103 = arith.cmpi ne, %rem3A_101, %ne3A_102 : i32
      %lt3A_104 = arith.constant 0 : i32
      %lt3A_105 = arith.cmpi slt, %rem3A_101, %lt3A_104 : i32
      %lt3A_106 = arith.constant 0 : i32
      %lt3A_107 = arith.cmpi slt, %select_n3A_100, %lt3A_106 : i32
      %ne3A_108 = arith.xori %lt3A_105, %lt3A_107 : i1
      %and3A_109 = arith.andi %ne3A_108, %ne3A_103 : i1
      %add3A_110 = arith.addi %rem3A_101, %select_n3A_100 : i32
      %select_n3A_111 = arith.select %and3A_109, %add3A_110, %rem3A_101 : i32
      %broadcast_in_dim3A_112 = vector.broadcast %select_n3A_111 : i32 to vector<16xi32>
      %gather3A = tpu.vector_load_idx %arg8[%iota3A, %broadcast_in_dim3A_95] : memref<32x128xf32, #tpu.memory_space<vmem>>[vector<16xi32>, vector<16xi32>], vector<16xf32>,
      %add3A_113 = arith.constant 16 : i32
      %add3A_114 = vector.broadcast %add3A_113 : i32 to vector<16xi32>
      %add3A_115 = arith.addi %iota3A, %add3A_114 : vector<16xi32>
      %gather3A_116 = tpu.vector_load_idx %arg8[%add3A_115, %broadcast_in_dim3A_95] : memref<32x128xf32, #tpu.memory_space<vmem>>[vector<16xi32>, vector<16xi32>], vector<16xf32>,
      %gather3A_117 = tpu.vector_load_idx %arg9[%iota3A, %broadcast_in_dim3A_112] : memref<32x128xf32, #tpu.memory_space<vmem>>[vector<16xi32>, vector<16xi32>], vector<16xf32>,
      %add3A_118 = arith.constant 16 : i32
      %add3A_119 = vector.broadcast %add3A_118 : i32 to vector<16xi32>
      %add3A_120 = arith.addi %iota3A, %add3A_119 : vector<16xi32>
      %gather3A_121 = tpu.vector_load_idx %arg9[%add3A_120, %broadcast_in_dim3A_112] : memref<32x128xf32, #tpu.memory_space<vmem>>[vector<16xi32>, vector<16xi32>], vector<16xf32>,
      %mul3A_122 = arith.mulf %gather3A, %gather3A_117 : vector<16xf32>
      %mul3A_123 = arith.mulf %gather3A_116, %gather3A_121 : vector<16xf32>
      %add3A_124 = arith.addf %mul3A_122, %mul3A_123 : vector<16xf32>
      %broadcast_in_dim3A_125 = arith.constant 0 : i32
      %broadcast_in_dim3A_126 = vector.broadcast %broadcast_in_dim3A_125 : i32 to vector<16xi32>
      tpu.vector_store_idx %arg10[%broadcast_in_dim3A_126], %add3A_124 {add = true} : memref<16xf32, #tpu.memory_space<vmem>>[vector<16xi32>], vector<16xf32>,
      "tpu.region"() ({
        %run_scoped3A = tpu.sem_alloc : memref<!tpu.dma_semaphore, #tpu.memory_space<semaphore_mem>>
        tpu.enqueue_dma source(%arg10 : memref<16xf32, #tpu.memory_space<vmem>>) target(%arg6 : memref<16xf32, #tpu.memory_space<hbm>>) target_semaphore(%run_scoped3A : memref<!tpu.dma_semaphore, #tpu.memory_space<semaphore_mem>>)
        tpu.wait_dma2 semaphore(%run_scoped3A : memref<!tpu.dma_semaphore, #tpu.memory_space<semaphore_mem>>) src(%arg10 : memref<16xf32, #tpu.memory_space<vmem>>) dst(%arg6 : memref<16xf32, #tpu.memory_space<hbm>>)
        tpu.yield
      }) : () -> ()
    } else {
    }
    return
  }
}

</mosaic_0001>

<sc_bundles>
// kernel: kernel.3.cloned.1.call-start
scs
__scs_entry_jumppad:
0x0: {  	(pc) =	sbr.rel $0x88, $3  }
0x1: {  	(tag) =	ssettag $0x0;
	lr =	simm.s32 $0x1  }
0x2: {  	[smem:$0x3F9D] =	sst lr;
	_ =	strace $0xD0000000  }
0x3: {  	_ = 	snop  }
0x4: {  	_ = 	snop  }
0x5: {  	_ = 	snop  }
0x6: {  	_ = 	snop  }
0x7: {  	_ = 	snop  }
__scs_overlays_trampoline_lowered:
0x8: {  	[smem:$0x3FAC] =	sst s0  }
0x9: {  	[smem:$0x3FAD] =	sst s1  }
0xa: {  	[smem:$0x3FAE] =	sst s2  }
0xb: {  	[smem:$0x3FAF] =	sst s3  }
0xc: {  	[smem:$0x3FB0] =	sst s4  }
0xd: {  	[smem:$0x3FB1] =	sst s5  }
0xe: {  	[smem:$0x3FB2] =	sst s6  }
0xf: {  	[smem:$0x3FB3] =	sst s7  }
0x10: {  	[smem:$0x3FB4] =	sst s8  }
0x11: {  	[smem:$0x3FB5] =	sst s9;
	s0 =	simm.s32 @!p0 $0x0  }
0x12: {  	s1 =	sld [smem:$0x3F9B];
	s0 =	simm.s32 @p0 $0x1  }
0x13: {  	[smem:$0x3FB6] =	sst s0;
	s0 =	simm.s32 @!p1 $0x0  }
0x14: {  	s2 =	sld [smem:$0x3F9A];
	s0 =	simm.s32 @p1 $0x1  }
0x15: {  	[smem:$0x3FB7] =	sst s0;
	s0 =	simm.s32 @!p2 $0x0  }
0x16: {  	s3 =	sld [smem:$0x3FDB];
	s0 =	simm.s32 @p2 $0x1  }
0x17: {  	s4 =	simm.s32 $0x1BF5;
	[smem:$0x3FB9] =	sst s0  }
0x18: {  	s0 =	sld [smem:$0x3F9C];
	_ =	swait.ge [sflag:s4], $0x0  }
0x19: {  	s7 =	sld [smem:$0x3F9D]  }
0x1a: {  	s8 =	sadd.s32 $0xFFFFE003, lr  }
0x1b: {  	s9 =	sadd.s32 $0xFFFFFEF7, lr;
	s5 =	simm.s32 $0xFFFFFFFF;
	p2 =	slt.u32 s8, $0xFFFFF086  }
0x1c: {  	p1 =	slt.u32 s9, $0xF7A;
	s5 =	simm.s32 @!p2 $0x0  }
0x1d: {  	s5 =	simm.s32 @p1 $0x1;
	p0 =	seq.s32 s7, s2  }
0x1e: {  	s7 =	smul.u32 @!p0 $0xF7A, s2;
	p2 =	seq.s32 @!p0 s5, $0x0  }
0x1f: {  	s9 =	smul.u32 $0xF7A, s1;
	s8 =	simm.s32 @!p0 $0x1BF5;
	p2 =	por !p2, p0  }
0x20: {  	[sflag:s8] =	ssyncset.s32 @!p0 $0xFFFFF086;
	s6 =	sadd.s32 @!p0 s3, s7;
	s7 =	simm.s32 @!p0 $0x108  }
0x21: {  	s3 =	sadd.s32 s3, s9;
	s6 =	sadd.s32 @!p0 $0x88, s6;
	s7 =	simm.s32 @p2 $0x1082  }
0x22: {  	[simem:s7], [sflag:s8] =	dma.local @!p0 [hbm:s6], $0xF7A  }
0x23: {  	s9 =	sor.u32 $0xD0000000, s2;
	s6 =	simm.s32 $0x108;
	_ =	swait.ge @!p0 [sflag:s8], $0x0  }
0x24: {  	s3 =	sadd.s32 $0x88, s3;
	s6 =	simm.s32 @!p1 $0x1082;
	[sflag:s4] =	ssyncset.s32 $0xFFFFF086  }
0x25: {  	[simem:s6], [sflag:s4] =	dma.local [hbm:s3], $0xF7A  }
0x26: {  	[smem:$0x3F9D] =	sst s1;
	(tag) =	ssettag s2;
	_ =	strace s9  }
0x27: {  	s1 =	sld [smem:$0x3FAD]  }
0x28: {  	s2 =	sld [smem:$0x3FAE]  }
0x29: {  	s4 =	sld [smem:$0x3FB0]  }
0x2a: {  	p0 =	seq.s32 s5, $0x0;
	s5 =	sld [smem:$0x3FB1]  }
0x2b: {  	s6 =	sld [smem:$0x3FB2]  }
0x2c: {  	s7 =	sld [smem:$0x3FB3]  }
0x2d: {  	s3 =	simm.s32 $0x108;
	s8 =	sld [smem:$0x3FB4]  }
0x2e: {  	s3 =	simm.s32 @!p0 $0x1082;
	s9 =	sld [smem:$0x3FB5]  }
0x2f: {  	lr =	sadd.s32 s0, s3;
	s0 =	sld [smem:$0x3FAC]  }
0x30: {  	s3 =	sld [smem:$0x3FAF]  }
0x31: {  	[smem:$0x3FB8] =	sst s10  }
0x32: {  	s10 =	sld [smem:$0x3FB6];
	_ =	sdelay $0x3  }
0x33: {  	p0 =	seq.s32 s10, $0x1;
	s10 =	sld [smem:$0x3FB8];
	_ =	sdelay $0x3  }
0x34: {  	[smem:$0x3FB8] =	sst s10  }
0x35: {  	s10 =	sld [smem:$0x3FB7];
	_ =	sdelay $0x3  }
0x36: {  	p1 =	seq.s32 s10, $0x1;
	s10 =	sld [smem:$0x3FB8];
	_ =	sdelay $0x3  }
0x37: {  	[smem:$0x3FB8] =	sst s10  }
0x38: {  	s10 =	sld [smem:$0x3FB9]  }
0x39: {  	_ = 	snop;
	(pc) =	sbr.ind lr, $3  }
0x3a: {  	_ = 	snop  }
0x3b: {  	_ = 	snop  }
0x3c: {  	p2 =	seq.s32 s10, $0x1;
	s10 =	sld [smem:$0x3FB8]  }
0x3d: {  	_ =	shalt  }
0x3e: {  	_ =	shalt  }
0x3f: {  	_ =	shalt  }
0x40: {  	_ =	shalt  }
0x41: {  	_ =	shalt  }
0x42: {  	_ =	shalt  }
0x43: {  	_ =	shalt  }
0x44: {  	_ =	shalt  }
0x45: {  	_ =	shalt  }
0x46: {  	_ =	shalt  }
0x47: {  	_ =	shalt  }
0x48: {  	_ =	shalt  }
0x49: {  	_ =	shalt  }
0x4a: {  	_ =	shalt  }
0x4b: {  	_ =	shalt  }
0x4c: {  	_ =	shalt  }
0x4d: {  	_ =	shalt  }
0x4e: {  	_ =	shalt  }
0x4f: {  	_ =	shalt  }
0x50: {  	_ =	shalt  }
0x51: {  	_ =	shalt  }
0x52: {  	_ =	shalt  }
0x53: {  	_ =	shalt  }
0x54: {  	_ =	shalt  }
0x55: {  	_ =	shalt  }
0x56: {  	_ =	shalt  }
0x57: {  	_ =	shalt  }
0x58: {  	_ =	shalt  }
0x59: {  	_ =	shalt  }
0x5a: {  	_ =	shalt  }
0x5b: {  	_ =	shalt  }
0x5c: {  	_ =	shalt  }
0x5d: {  	_ =	shalt  }
0x5e: {  	_ =	shalt  }
0x5f: {  	_ =	shalt  }
0x60: {  	_ =	shalt  }
0x61: {  	_ =	shalt  }
0x62: {  	_ =	shalt  }
0x63: {  	_ =	shalt  }
0x64: {  	_ =	shalt  }
0x65: {  	_ =	shalt  }
0x66: {  	_ =	shalt  }
0x67: {  	_ =	shalt  }
0x68: {  	_ =	shalt  }
0x69: {  	_ =	shalt  }
0x6a: {  	_ =	shalt  }
0x6b: {  	_ =	shalt  }
0x6c: {  	_ =	shalt  }
0x6d: {  	_ =	shalt  }
0x6e: {  	_ =	shalt  }
0x6f: {  	_ =	shalt  }
0x70: {  	_ =	shalt  }
0x71: {  	_ =	shalt  }
0x72: {  	_ =	shalt  }
0x73: {  	_ =	shalt  }
0x74: {  	_ =	shalt  }
0x75: {  	_ =	shalt  }
0x76: {  	_ =	shalt  }
0x77: {  	_ =	shalt  }
0x78: {  	_ =	shalt  }
0x79: {  	_ =	shalt  }
0x7a: {  	_ =	shalt  }
0x7b: {  	_ =	shalt  }
0x7c: {  	_ =	shalt  }
0x7d: {  	_ =	shalt  }
0x7e: {  	_ =	shalt  }
0x7f: {  	_ =	shalt  }
0x80: {  	_ =	shalt  }
0x81: {  	_ =	shalt  }
0x82: {  	_ =	shalt  }
0x83: {  	_ =	shalt  }
0x84: {  	_ =	shalt  }
0x85: {  	_ =	shalt  }
0x86: {  	_ =	shalt  }
0x87: {  	_ =	shalt  }
.Lfunc_end0:
.L_simem_size_0:
called_computation_lowered:
.L_overlay_start_0:
0x88: {  	s0 =	sld [smem:$0x3FD9]  }
0x89: {  	s1 =	sld [smem:$0x3FFE];
	_ =	sdelay $0x3  }
0x8a: {  	s0 =	sadd.s32 s1, s0  }
0x8b: {  	[smem:$0x3FC4] =	sst s0  }
0x8c: {  	_ = 	snop  }
0x8d: {  	s0 =	sld [smem:$0x3FC9]  }
0x8e: {  	s17 =	sld [smem:$0x3FC8]  }
0x8f: {  	s2 =	sld [smem:$0x3FC7]  }
0x90: {  	s3 =	sld [smem:$0x3FC6]  }
0x91: {  	s4 =	sld [smem:$0x3FD0];
	(tm) =	ssettm $0x1  }
0x92: {  	s5 =	sld [smem:$0x3FFB];
	_ =	sdelay $0x3  }
0x93: {  	_ =	strace s5  }
0x94: {  	s5 =	sld [smem:$0x3FFC];
	_ =	sdelay $0x3  }
0x95: {  	_ =	strace s5  }
0x96: {  	s5 =	sld [smem:$0x3FFD];
	_ =	sdelay $0x3  }
0x97: {  	_ =	strace s5  }
0x98: {  	_ =	strace $0x8FFFFFFF  }
0x99: {  	s18 =	sld [smem:$0x3FDB];
	_ =	sdelay $0x1  }
0x9a: {  	s6 =	simm.s32 $_scs_section_size  }
0x9b: {  	s7 =	simm.s32 $_size__tile_overlayer_lowered;
	s8 =	simm.s32 $_tile_overlayer_lowered  }
0x9c: {  	s21 =	simm.s32 $0x1BFF;
	s20 =	sshll.u32 s8, $0x1;
	s5 =	sadd.s32 s6, s18  }
0x9d: {  	s9 =	simm.s32 $0x0;
	s19 =	sshll.u32 s7, $0x1;
	s7 =	sadd.s32 s20, s5  }
0x9e: {  	[timem:s9], [sflag:s21] =	dma.local [hbm:s7], s19  }
0x9f: {  	_ =	swait.ge [sflag:s21], s19  }
0xa0: {  	s6 =	ssub.s32 $0x0, s19;
	[sflag:s21] =	ssyncset.done $0x0  }
0xa1: {  	[sflag:s21] =	ssyncadd.s32 s6;
	_ =	sdelay $0x1  }
0xa2: {  	s22 =	simm.s32 $0x1B8B  }
0xa3: {  	_ =	swait.ge [sflag:s22], $0x1  }
0xa4: {  	[sflag:s22] =	ssyncset.done $0x0  }
0xa5: {  	s23 =	simm.s32 $0x1B8E;
	[sflag:s22] =	ssyncadd.s32 $0xFFFFFFFF  }
0xa6: {  	s24 =	simm.s32 $execute0_lowered;
	[smem:$0x3FD2] =	sst s23  }
0xa7: {  	s6 =	sshll.u32 s24, $0x1;
	_ =	strace $0x80000046;
	[dreg:$0x1] =	wrdreg $0xFFFFFFFF  }
0xa8: {  	s25 =	simm.s32 $_size_execute0_lowered;
	s5 =	sadd.s32 s5, s6;
	[dreg:$0x0] =	wrdreg $0x0  }
0xa9: {  	s6 =	sshll.u32 s25, $0x1;
	[dreg:$0x2] =	wrdreg s5  }
0xaa: {  	[dreg:$0x3] =	wrdreg s6  }
0xab: {  	[dreg:$0x4] =	wrdreg $0xC0  }
0xac: {  	_ =	task [dreg:s9], $0x5FFFF  }
0xad: {  	[dreg:$0x1] =	wrdreg $0xFFFFFFFF  }
0xae: {  	[dreg:$0x0] =	wrdreg $0x60  }
0xaf: {  	[dreg:$0x2] =	wrdreg s0  }
0xb0: {  	[dreg:$0x3] =	wrdreg s17  }
0xb1: {  	[dreg:$0x4] =	wrdreg s2  }
0xb2: {  	[dreg:$0x5] =	wrdreg s3  }
0xb3: {  	[dreg:$0x6] =	wrdreg s4  }
0xb4: {  	[dreg:$0x7] =	wrdreg $0x9  }
0xb5: {  	_ =	task.clear_ibuf [dreg:s9], $0x8FFFF;
	_ =	strace $0x90000046  }
0xb6: {  	s26 =	simm.s32 $0x9;
	_ =	strace $0x80000048  }
0xb7: {  	_ =	swait.ge [sflag:s26], $0x1  }
0xb8: {  	[sflag:s26] =	ssyncadd.s32 $0xFFFFFFFF  }
0xb9: {  	_ =	strace $0x90000048  }
0xba: {  	_ =	sfence  }
0xbb: {  	s28 =	sld [smem:$0x0];
	_ =	sdelay $0x1  }
0xbc: {  	s29 =	srdreg.scid  }
0xbd: {  	s30 =	sshll.u32 s29, $0xD;
	s31 =	sshrl.u32 s29, $0x2  }
0xbe: {  	s1 =	sand.u32 $0x1, s29;
	s2 =	sand.u32 $0x4000, s30;
	s0 =	sadd.s32 s31, s28  }
0xbf: {  	s1 =	sor.u32 s2, s1;
	s0 =	sshll.u32 s0, $0x11  }
0xc0: {  	s0 =	sor.u32 s0, s1  }
0xc1: {  	s0 =	sadd.s32 $0x8F2B, s0  }
0xc2: {  	[sflag:s0] =	ssyncadd.remote.s32 $0x1  }
0xc3: {  	_ =	sfence.sel $0xFFFF  }
0xc4: {  	[dreg:$0x0] =	wrdreg $0xFFFFFFFF;
	(pc) =	sbr.abs _section_cstart, $3  }
0xc5: {  	[dreg:$0x1] =	wrdreg $0xFFFFFFFF  }
0xc6: {  	_ =	task.clear_ibuf [dreg:s9], $0x2FFFF;
	_ =	strace $0x9FFFFFFF  }
0xc7: {  	(tm) =	ssettm $0x7FFFFFFF  }
tec
execute0_lowered:
.L_overlay_start_1:
0x0: {  	(tag) =	ssettag $0x1  }
0x1: {  	s6 =	rddreg [dreg:$0x0];
	s7 =	stileid.u32  }
0x2: {  	s5 =	rddreg [dreg:$0x1];
	p0 =	sne.s32 s7, $0x0  }
.Ltmp0:
0x3: {  	s4 =	rddreg [dreg:$0x2];
	(pc) =	sbr.rel @p0 .LBB2_2-.Ltmp0, $4  }
0x4: {  	s3 =	rddreg [dreg:$0x3]  }
0x5: {  	s1 =	rddreg [dreg:$0x4];
	s2 =	simm.s32 $0x0  }
0x6: {  	[smem:$0x7FF] =	sst s2  }
0x7: {  	s0 =	rddreg [dreg:$0x5];
	_ =	strace $0x80000047  }
0x8: {  	v0 =	vimm.f32 $0.0e+00  }
0x9: {  	[tilespmem:$0x2080] =	vst v0  }
0xa: {  	[tilespmem:s2], [sflag:$0x1] =	stream.linear.gather [hbm4b:s6+s2], $0x1, $0x38;
	[tilespmem:$0x2100] =	vst v63  }
0xb: {  	s18 =	simm.s32 $0x8;
	s19 =	simm.s32 $0x1  }
0xc: {  	[tilespmem:s18], [sflag:$0x1] =	stream.linear.gather [hbm4b:s5+s2], $0x1, $0x38;
	[tilespmem:$0x2100] =	vst v63  }
0xd: {  	_ =	swait.ge [sflag:s19], $0x1  }
0xe: {  	[sflag:s19] =	ssyncset.done $0x0  }
0xf: {  	[sflag:s19] =	ssyncadd.s32 $0xFFFFFFFF  }
0x10: {  	_ =	swait.ge [sflag:s19], $0x1  }
0x11: {  	[sflag:s19] =	ssyncset.done $0x0  }
0x12: {  	[sflag:s19] =	ssyncadd.s32 $0xFFFFFFFF  }
0x13: {  	v61 =	vld [tilespmem:$0x0];
	_ =	sdelay $0x4  }
0x14: {  	(v2sf) =	vpush v61, $0x0;
	_ =	sdelay $0x1  }
0x15: {  	(v2sf) =	vpush v61, $0x8;
	_ =	sdelay $0xc  }
0x16: {  	s20 =	spop (v2sf)  }
0x17: {  	s7 =	sshra.s32 s20, $0x1F  }
0x18: {  	s8 =	spop (v2sf);
	s7 =	sshrl.u32 s7, $0x19  }
0x19: {  	s10 =	sshra.s32 s8, $0x1F;
	s7 =	sadd.s32 s7, s20  }
0x1a: {  	s11 =	simm.s32 $0x1;
	s10 =	sshrl.u32 s10, $0x19;
	s9 =	sand.u32 $0xFFFFFF80, s7  }
0x1b: {  	p1 =	slt.s32 s20, $0x1;
	s21 =	sadd.s32 s10, s8;
	p2 =	sne.s32 s20, s9  }
0x1c: {  	s22 =	simm.s32 $0x400;
	s10 =	sand.u32 $0xFFFFFF80, s21;
	p1 =	por !p1, !p2  }
0x1d: {  	p5 =	slt.s32 s8, $0x1;
	p6 =	sne.s32 s8, s10;
	p1 =	por !p1, !p1  }
0x1e: {  	s7 =	sshrl.u32 s7, $0x7;
	s11 =	simm.s32 @!p1 $0x0;
	p1 =	por !p5, !p6  }
0x1f: {  	s10 =	simm.s32 $0x1;
	s7 =	ssub.s32 s7, s11;
	p1 =	por !p1, !p1  }
0x20: {  	s9 =	sshrl.u32 s21, $0x7;
	s7 =	sshll.u32 s7, $0x7;
	s10 =	simm.s32 @!p1 $0x0  }
0x21: {  	s23 =	simm.s32 $0x7A1400;
	s7 =	sand.u32 $0x1FFFFF80, s7;
	s9 =	ssub.s32 s9, s10  }
0x22: {  	s24 =	simm.s32 $0x80;
	s4 =	sadd.s32 s4, s7;
	s25 =	sshll.u32 s9, $0x7  }
0x23: {  	[tilespmem:s24], [sflag:$0x1] =	stream.strided.gather [hbm4b:s4+s22], $0x1000, s23, s22, $0x38;
	[tilespmem:$0x2100] =	vst v63  }
0x24: {  	s4 =	sand.u32 $0x1FFFFF80, s25  }
0x25: {  	s26 =	simm.s32 $0x1080;
	v62 =	vlaneseq.u32;
	s3 =	sadd.s32 s3, s4  }
0x26: {  	v0 =	vmul.u32 $0x80, v62;
	[tilespmem:s26], [sflag:$0x1] =	stream.strided.gather [hbm4b:s3+s22], $0x1000, s23, s22, $0x38;
	[tilespmem:$0x2100] =	vst v63  }
0x27: {  	s28 =	sand.u32 $0x7F, s20;
	_ =	swait.ge [sflag:s19], $0x1000  }
0x28: {  	v2 =	vor.u32 $0x800, v0;
	v1 =	vor.u32 s28, v0;
	[sflag:s19] =	ssyncset.done $0x0  }
0x29: {  	s29 =	sand.u32 $0x7F, s8;
	v3 =	vor.u32 s28, v2;
	[sflag:s19] =	ssyncadd.s32 $0xFFFFF000  }
0x2a: {  	v0 =	vor.u32 s29, v0;
	_ =	swait.ge [sflag:s19], $0x1000  }
0x2b: {  	v2 =	vor.u32 s29, v2;
	[sflag:s19] =	ssyncset.done $0x0  }
0x2c: {  	[sflag:s19] =	ssyncadd.s32 $0xFFFFF000  }
0x2d: {  	v1 =	vld.idx.msk [tilespmem:v1+s24+$0x0], $0xffff  }
0x2e: {  	v3 =	vld.idx.msk [tilespmem:v3+s24+$0x0], $0xffff  }
0x2f: {  	v0 =	vld.idx.msk [tilespmem:v0+s26+$0x0], $0xffff  }
0x30: {  	v2 =	vld.idx.msk [tilespmem:v2+s26+$0x0], $0xffff;
	_ =	sdelay $0x3  }
0x31: {  	v4 =	vimm.s32 $0x0  }
0x32: {  	v0 =	vmul.f32 v0, v1;
	v63 =	vmul.f32 v2, v3;
	_ =	sdelay $0x1  }
0x33: {  	v0 =	vadd.f32 v63, v0  }
0x34: {  	s30 =	simm.s32 $0x2080  }
0x35: {  	s31 =	simm.s32 $0x2;
	[tilespmem:v4+s30+$0x0] =	vst.idx.add.f32.msk $0xffff, v0  }
0x36: {  	[hbm4b:s1+s2] =	stream.linear.scatter [tilespmem:s30], [sflag:$0x2], $0x80, $0x38;
	[tilespmem:$0x2100] =	vst v63  }
0x37: {  	_ =	swait.ge [sflag:s31], $0x80  }
0x38: {  	[sflag:s31] =	ssyncset.done $0x0  }
0x39: {  	[sflag:s31] =	ssyncadd.s32 $0xFFFFFF80  }
.LBB2_2:
0x3a: {  	_ =	sfence.sel $0x180000  }
0x3b: {  	[bflag:$0x0] =	sbarrier.arrive $0xFFFF  }
0x3c: {  	_ =	strace $0x90000047  }
0x3d: {  	s0 =	sadd.s32 @!p0 $0x100000, s0;
	[bflag:$0x2] =	sbarrier.arrive $0xFFFF  }
0x3e: {  	[sflag:s0] =	ssyncadd.tile.s32 @!p0 $0x1;
	_ =	shalt  }
.Lfunc_end2:
_tile_overlayer_lowered:
.L_overlay_start_2:
0x3f: {  	(tag) =	ssettag $0x2  }
0x40: {  	s0 =	rddreg [dreg:$0x0];
	s2 =	stileid.u32  }
0x41: {  	s1 =	rddreg [dreg:$0x1];
	p0 =	sne.s32 s2, $0x0  }
0x42: {  	s3 =	rddreg [dreg:$0x2];
	[bflag:$0x3] =	sbarrier.arrive $0xFFFF;
	s2 =	simm.s32 @!p0 $0x1C02  }
0x43: {  	[timem:s3], [sflag:s2] =	dma.local @!p0 [hbm:s0], s1  }
0x44: {  	s0 =	simm.s32 @!p0 $0x2  }
0x45: {  	_ =	swait.ge @!p0 [sflag:s0], s1  }
0x46: {  	s1 =	ssub.s32 @!p0 $0x0, s1;
	[sflag:s0] =	ssyncset.done @!p0 $0x0  }
0x47: {  	[sflag:s0] =	ssyncadd.s32 @!p0 s1  }
0x48: {  	[bflag:$0x3] =	sbarrier.arrive $0xFFFF  }
0x49: {  	_ =	shalt  }

</sc_bundles>
